<compile_context>
chip_gen: v7x
topology: tpu7x:2x2x1
jax: 0.10.2.dev20260603
libtpu: 0.0.44.dev20260713+nightly
codegen_flags: <defaults>
</compile_context>

<pallas_src>
import functools

import jax
import jax.numpy as jnp
from jax import lax
from jax.experimental import pallas as pl
from jax.experimental.pallas import tpu as pltpu
from jax.experimental.pallas import tpu_sc as plsc

VOCAB = 32000
D = 4096
B_TOT = 4 * 8192
NC, NS = 2, 16
NW = NC * NS
BPW = B_TOT // NW
K = 8
NB = 3
NCHUNK = BPW // K
NSTEADY = (NCHUNK // NB) * NB


def _gather_kernel(ids_hbm, table_hbm, out_hbm, idx_v, rows0, rows1, rows2,
                   gsem0, gsem1, gsem2, osem0, osem1, osem2):
    rows = (rows0, rows1, rows2)
    gsem = (gsem0, gsem1, gsem2)
    osem = (osem0, osem1, osem2)
    wid = lax.axis_index("s") * NC + lax.axis_index("c")
    base = wid * BPW
    pltpu.sync_copy(ids_hbm.at[pl.ds(base, BPW)], idx_v)

    def gather(g, b):
        start = pl.multiple_of(g * K, K)
        pltpu.async_copy(
            table_hbm.at[idx_v.at[pl.ds(start, K)]], rows[b], gsem[b]
        )

    def put(g, b):
        start = pl.multiple_of(g * K, K)
        pltpu.async_copy(rows[b], out_hbm.at[pl.ds(base + start, K)], osem[b])

    def wait_gather(b):
        pltpu.make_async_copy(rows[b], out_hbm.at[pl.ds(0, K)], gsem[b]).wait()

    def wait_put(b):
        pltpu.make_async_copy(rows[b], out_hbm.at[pl.ds(0, K)], osem[b]).wait()

    for b in range(NB):
        gather(b, b)

    def body(i, carry):
        for b in range(NB):
            c = i * NB + b
            wait_gather(b)
            put(c, b)
            d = (b + NB - 1) % NB

            @pl.when((c >= 1) & (c + 2 < NCHUNK))
            def _():
                wait_put(d)
                gather(c + 2, d)

        return carry

    lax.fori_loop(0, NSTEADY // NB, body, 0)

    for c in range(NSTEADY, NCHUNK):
        b = c % NB
        wait_gather(b)
        put(c, b)

    for c in range(NCHUNK - NB, NCHUNK):
        wait_put(c % NB)


def kernel(text_ids, text_embedding_weight):
    ids = text_ids.reshape(-1).astype(jnp.int32)
    mesh = plsc.VectorSubcoreMesh(core_axis_name="c", subcore_axis_name="s")
    run = functools.partial(
        pl.kernel,
        mesh=mesh,
        out_type=jax.ShapeDtypeStruct((B_TOT, D), jnp.float32),
        scratch_types=[
            pltpu.VMEM((BPW,), jnp.int32),
            pltpu.VMEM((K, D), jnp.float32),
            pltpu.VMEM((K, D), jnp.float32),
            pltpu.VMEM((K, D), jnp.float32),
            pltpu.SemaphoreType.DMA,
            pltpu.SemaphoreType.DMA,
            pltpu.SemaphoreType.DMA,
            pltpu.SemaphoreType.DMA,
            pltpu.SemaphoreType.DMA,
            pltpu.SemaphoreType.DMA,
        ],
    )(_gather_kernel)
    out = run(ids, text_embedding_weight)
    return out.reshape(text_ids.shape + (D,))

# --- scband reference (transcript-rebuilt; emitter-appended) ---
"""Pipeline reference for scband-gemini-native-embeddings-1769526526191 (READ-ONLY COPY).

The authoritative reference and input builder live on the scoring server;
editing this copy changes nothing except your own understanding.
"""

import jax, jax.numpy as jnp
import numpy as np

VOCAB_SIZE = 32000
D_MODEL = 4096
BATCH = 4
SEQ_LEN = 8192

def setup_inputs(seed: int = 0) -> dict:
    key = jax.random.key(seed)
    k_idx, k_emb = jax.random.split(key)
    text_ids = jax.random.randint(k_idx, (BATCH, SEQ_LEN), 0, VOCAB_SIZE, dtype=jnp.int64 if jax.config.jax_enable_x64 else jnp.int32)
    # nn.Embedding default init: N(0, 1)
    text_embedding_weight = jax.random.normal(k_emb, (VOCAB_SIZE, D_MODEL), dtype=jnp.float32)
    return {"text_ids": text_ids, "text_embedding_weight": text_embedding_weight}

def reference(text_ids, text_embedding_weight):
    # Faithful translation of GeminiNativeEmbeddings.process_text:
    #   return self.text_embedding(text_ids)
    # nn.Embedding is a pure row-gather from the table.
    return jnp.take(text_embedding_weight, text_ids, axis=0)

if __name__ == "__main__":
    import jax
    _d = setup_inputs()
    print(jax.jit(kernel)(*tuple(_d.values())))

</pallas_src>

<mosaic_0001>
#map = affine_map<(d0, d1) -> (0)>
#map1 = affine_map<(d0, d1) -> (0, 0)>
module attributes {stable_mosaic.version = 14 : i64} {
  func.func @_gather_kernel(%arg0: i32, %arg1: i32, %arg2: memref<32768xi32, #tpu.memory_space<hbm>>, %arg3: memref<32000x4096xf32, #tpu.memory_space<hbm>>, %arg4: memref<32768x4096xf32, #tpu.memory_space<hbm>>, %arg5: memref<1024xi32, #tpu.memory_space<vmem>>, %arg6: memref<8x4096xf32, #tpu.memory_space<vmem>>, %arg7: memref<8x4096xf32, #tpu.memory_space<vmem>>, %arg8: memref<8x4096xf32, #tpu.memory_space<vmem>>, %arg9: memref<!tpu.dma_semaphore, #tpu.memory_space<semaphore_mem>>, %arg10: memref<!tpu.dma_semaphore, #tpu.memory_space<semaphore_mem>>, %arg11: memref<!tpu.dma_semaphore, #tpu.memory_space<semaphore_mem>>, %arg12: memref<!tpu.dma_semaphore, #tpu.memory_space<semaphore_mem>>, %arg13: memref<!tpu.dma_semaphore, #tpu.memory_space<semaphore_mem>>, %arg14: memref<!tpu.dma_semaphore, #tpu.memory_space<semaphore_mem>>) attributes {dimension_semantics = [#tpu.dimension_semantics<core_parallel>, #tpu.dimension_semantics<subcore_parallel>], iteration_bounds = array<i64: 2, 16>, scalar_prefetch = 0 : i64, scratch_operands = 10 : i64, tpu.core_type = #tpu.core_type<sc_vector_subcore>, window_params = [{transform_indices = #map}, {transform_indices = #map1}, {transform_indices = #map1}]} {
    %mul3A = arith.constant 2 : i32
    %mul3A_0 = arith.muli %arg1, %mul3A : i32
    %add3A = arith.addi %mul3A_0, %arg0 : i32
    %mul3A_1 = arith.constant 1024 : i32
    %mul3A_2 = arith.muli %add3A, %mul3A_1 : i32
    "tpu.region"() ({
      %run_scoped3A = tpu.sem_alloc : memref<!tpu.dma_semaphore, #tpu.memory_space<semaphore_mem>>
      %dma_start3A_67 = tpu.memref_slice %arg2[%mul3A_2] : memref<32768xi32, #tpu.memory_space<hbm>> -> memref<1024xi32, #tpu.memory_space<hbm>>
      %dma_start3A_68 = tpu.memref_slice %arg2[%mul3A_2] : memref<32768xi32, #tpu.memory_space<hbm>> -> memref<1024xi32, #tpu.memory_space<hbm>>
      tpu.enqueue_dma source(%dma_start3A_68 : memref<1024xi32, #tpu.memory_space<hbm>>) target(%arg5 : memref<1024xi32, #tpu.memory_space<vmem>>) target_semaphore(%run_scoped3A : memref<!tpu.dma_semaphore, #tpu.memory_space<semaphore_mem>>)
      %dma_wait3A_69 = tpu.memref_slice %arg2[%mul3A_2] : memref<32768xi32, #tpu.memory_space<hbm>> -> memref<1024xi32, #tpu.memory_space<hbm>>
      %dma_wait3A_70 = tpu.memref_slice %arg2[%mul3A_2] : memref<32768xi32, #tpu.memory_space<hbm>> -> memref<1024xi32, #tpu.memory_space<hbm>>
      tpu.wait_dma2 semaphore(%run_scoped3A : memref<!tpu.dma_semaphore, #tpu.memory_space<semaphore_mem>>) src(%dma_wait3A_70 : memref<1024xi32, #tpu.memory_space<hbm>>) dst(%arg5 : memref<1024xi32, #tpu.memory_space<vmem>>)
      tpu.yield
    }) : () -> ()
    %multiple_of3A = arith.constant 0 : i32
    %multiple_of3A_3 = tpu.assume_multiple %multiple_of3A, 8 : i32
    %dma_start3A = tpu.memref_slice %arg5[%multiple_of3A_3] : memref<1024xi32, #tpu.memory_space<vmem>> -> memref<8xi32, #tpu.memory_space<vmem>>
    %dma_start3A_4 = arith.constant 0 : i32
    %dma_start3A_5 = arith.constant 0 : i32
    %dma_start3A_6 = tpu.memref_slice %arg3[%dma_start3A_4, %dma_start3A_5] : memref<32000x4096xf32, #tpu.memory_space<hbm>> -> memref<32000x4096xf32, #tpu.memory_space<hbm>>
    tpu.enqueue_indirect_dma source(%dma_start3A_6 : memref<32000x4096xf32, #tpu.memory_space<hbm>>) target(%arg6 : memref<8x4096xf32, #tpu.memory_space<vmem>>) offsets(%dma_start3A : memref<8xi32, #tpu.memory_space<vmem>>) semaphore(%arg9 : memref<!tpu.dma_semaphore, #tpu.memory_space<semaphore_mem>>)
    %multiple_of3A_7 = arith.constant 8 : i32
    %multiple_of3A_8 = tpu.assume_multiple %multiple_of3A_7, 8 : i32
    %dma_start3A_9 = tpu.memref_slice %arg5[%multiple_of3A_8] : memref<1024xi32, #tpu.memory_space<vmem>> -> memref<8xi32, #tpu.memory_space<vmem>>
    %dma_start3A_10 = arith.constant 0 : i32
    %dma_start3A_11 = arith.constant 0 : i32
    %dma_start3A_12 = tpu.memref_slice %arg3[%dma_start3A_10, %dma_start3A_11] : memref<32000x4096xf32, #tpu.memory_space<hbm>> -> memref<32000x4096xf32, #tpu.memory_space<hbm>>
    tpu.enqueue_indirect_dma source(%dma_start3A_12 : memref<32000x4096xf32, #tpu.memory_space<hbm>>) target(%arg7 : memref<8x4096xf32, #tpu.memory_space<vmem>>) offsets(%dma_start3A_9 : memref<8xi32, #tpu.memory_space<vmem>>) semaphore(%arg10 : memref<!tpu.dma_semaphore, #tpu.memory_space<semaphore_mem>>)
    %multiple_of3A_13 = arith.constant 16 : i32
    %multiple_of3A_14 = tpu.assume_multiple %multiple_of3A_13, 8 : i32
    %dma_start3A_15 = tpu.memref_slice %arg5[%multiple_of3A_14] : memref<1024xi32, #tpu.memory_space<vmem>> -> memref<8xi32, #tpu.memory_space<vmem>>
    %dma_start3A_16 = arith.constant 0 : i32
    %dma_start3A_17 = arith.constant 0 : i32
    %dma_start3A_18 = tpu.memref_slice %arg3[%dma_start3A_16, %dma_start3A_17] : memref<32000x4096xf32, #tpu.memory_space<hbm>> -> memref<32000x4096xf32, #tpu.memory_space<hbm>>
    tpu.enqueue_indirect_dma source(%dma_start3A_18 : memref<32000x4096xf32, #tpu.memory_space<hbm>>) target(%arg8 : memref<8x4096xf32, #tpu.memory_space<vmem>>) offsets(%dma_start3A_15 : memref<8xi32, #tpu.memory_space<vmem>>) semaphore(%arg11 : memref<!tpu.dma_semaphore, #tpu.memory_space<semaphore_mem>>)
    %scan3A = arith.constant 0 : i32
    %scan3A_19 = arith.constant 0 : i32
    %scan3A_20 = arith.constant 42 : i32
    %scan3A_21 = arith.addi %scan3A_19, %scan3A_20 : i32
    %scan3A_22 = arith.constant 1 : i32
    scf.for %scan3A_67 = %scan3A_19 to %scan3A_21 step %scan3A_22  : i32 {
      %mul3A_68 = arith.constant 3 : i32
      %mul3A_69 = arith.muli %scan3A_67, %mul3A_68 : i32
      %add3A_70 = arith.constant 0 : i32
      %add3A_71 = arith.addi %mul3A_69, %add3A_70 : i32
      %dma_wait3A_72 = arith.constant 0 : i32
      %dma_wait3A_73 = arith.constant 0 : i32
      %dma_wait3A_74 = tpu.memref_slice %arg4[%dma_wait3A_72, %dma_wait3A_73] : memref<32768x4096xf32, #tpu.memory_space<hbm>> -> memref<8x4096xf32, #tpu.memory_space<hbm>>
      %dma_wait3A_75 = arith.constant 0 : i32
      %dma_wait3A_76 = arith.constant 0 : i32
      %dma_wait3A_77 = tpu.memref_slice %arg4[%dma_wait3A_75, %dma_wait3A_76] : memref<32768x4096xf32, #tpu.memory_space<hbm>> -> memref<8x4096xf32, #tpu.memory_space<hbm>>
      tpu.wait_dma2 semaphore(%arg9 : memref<!tpu.dma_semaphore, #tpu.memory_space<semaphore_mem>>) src(%arg6 : memref<8x4096xf32, #tpu.memory_space<vmem>>) dst(%dma_wait3A_77 : memref<8x4096xf32, #tpu.memory_space<hbm>>)
      %mul3A_78 = arith.constant 8 : i32
      %mul3A_79 = arith.muli %add3A_71, %mul3A_78 : i32
      %multiple_of3A_80 = tpu.assume_multiple %mul3A_79, 8 : i32
      %add3A_81 = arith.addi %mul3A_2, %multiple_of3A_80 : i32
      %dma_start3A_82 = arith.constant 0 : i32
      %dma_start3A_83 = tpu.memref_slice %arg4[%add3A_81, %dma_start3A_82] : memref<32768x4096xf32, #tpu.memory_space<hbm>> -> memref<8x4096xf32, #tpu.memory_space<hbm>>
      %dma_start3A_84 = arith.constant 0 : i32
      %dma_start3A_85 = tpu.memref_slice %arg4[%add3A_81, %dma_start3A_84] : memref<32768x4096xf32, #tpu.memory_space<hbm>> -> memref<8x4096xf32, #tpu.memory_space<hbm>>
      tpu.enqueue_dma source(%arg6 : memref<8x4096xf32, #tpu.memory_space<vmem>>) target(%dma_start3A_85 : memref<8x4096xf32, #tpu.memory_space<hbm>>) target_semaphore(%arg12 : memref<!tpu.dma_semaphore, #tpu.memory_space<semaphore_mem>>)
      %ge3A = arith.constant 1 : i32
      %ge3A_86 = arith.cmpi sge, %add3A_71, %ge3A : i32
      %add3A_87 = arith.constant 2 : i32
      %add3A_88 = arith.addi %add3A_71, %add3A_87 : i32
      %lt3A = arith.constant 128 : i32
      %lt3A_89 = arith.cmpi slt, %add3A_88, %lt3A : i32
      %and3A = arith.andi %ge3A_86, %lt3A_89 : i1
      %convert_element_type3A = arith.extui %and3A : i1 to i32
      %cond3A = arith.constant 0 : i32
      %cond3A_90 = arith.cmpi ne, %convert_element_type3A, %cond3A : i32
      scf.if %cond3A_90 {
        %dma_wait3A_147 = arith.constant 0 : i32
        %dma_wait3A_148 = arith.constant 0 : i32
        %dma_wait3A_149 = tpu.memref_slice %arg4[%dma_wait3A_147, %dma_wait3A_148] : memref<32768x4096xf32, #tpu.memory_space<hbm>> -> memref<8x4096xf32, #tpu.memory_space<hbm>>
        %dma_wait3A_150 = arith.constant 0 : i32
        %dma_wait3A_151 = arith.constant 0 : i32
        %dma_wait3A_152 = tpu.memref_slice %arg4[%dma_wait3A_150, %dma_wait3A_151] : memref<32768x4096xf32, #tpu.memory_space<hbm>> -> memref<8x4096xf32, #tpu.memory_space<hbm>>
        tpu.wait_dma2 semaphore(%arg14 : memref<!tpu.dma_semaphore, #tpu.memory_space<semaphore_mem>>) src(%arg8 : memref<8x4096xf32, #tpu.memory_space<vmem>>) dst(%dma_wait3A_152 : memref<8x4096xf32, #tpu.memory_space<hbm>>)
        %add3A_153 = arith.constant 2 : i32
        %add3A_154 = arith.addi %add3A_71, %add3A_153 : i32
        %mul3A_155 = arith.constant 8 : i32
        %mul3A_156 = arith.muli %add3A_154, %mul3A_155 : i32
        %multiple_of3A_157 = tpu.assume_multiple %mul3A_156, 8 : i32
        %dma_start3A_158 = tpu.memref_slice %arg5[%multiple_of3A_157] : memref<1024xi32, #tpu.memory_space<vmem>> -> memref<8xi32, #tpu.memory_space<vmem>>
        %dma_start3A_159 = arith.constant 0 : i32
        %dma_start3A_160 = arith.constant 0 : i32
        %dma_start3A_161 = tpu.memref_slice %arg3[%dma_start3A_159, %dma_start3A_160] : memref<32000x4096xf32, #tpu.memory_space<hbm>> -> memref<32000x4096xf32, #tpu.memory_space<hbm>>
        tpu.enqueue_indirect_dma source(%dma_start3A_161 : memref<32000x4096xf32, #tpu.memory_space<hbm>>) target(%arg8 : memref<8x4096xf32, #tpu.memory_space<vmem>>) offsets(%dma_start3A_158 : memref<8xi32, #tpu.memory_space<vmem>>) semaphore(%arg11 : memref<!tpu.dma_semaphore, #tpu.memory_space<semaphore_mem>>)
      } else {
      }
      %mul3A_91 = arith.constant 3 : i32
      %mul3A_92 = arith.muli %scan3A_67, %mul3A_91 : i32
      %add3A_93 = arith.constant 1 : i32
      %add3A_94 = arith.addi %mul3A_92, %add3A_93 : i32
      %dma_wait3A_95 = arith.constant 0 : i32
      %dma_wait3A_96 = arith.constant 0 : i32
      %dma_wait3A_97 = tpu.memref_slice %arg4[%dma_wait3A_95, %dma_wait3A_96] : memref<32768x4096xf32, #tpu.memory_space<hbm>> -> memref<8x4096xf32, #tpu.memory_space<hbm>>
      %dma_wait3A_98 = arith.constant 0 : i32
      %dma_wait3A_99 = arith.constant 0 : i32
      %dma_wait3A_100 = tpu.memref_slice %arg4[%dma_wait3A_98, %dma_wait3A_99] : memref<32768x4096xf32, #tpu.memory_space<hbm>> -> memref<8x4096xf32, #tpu.memory_space<hbm>>
      tpu.wait_dma2 semaphore(%arg10 : memref<!tpu.dma_semaphore, #tpu.memory_space<semaphore_mem>>) src(%arg7 : memref<8x4096xf32, #tpu.memory_space<vmem>>) dst(%dma_wait3A_100 : memref<8x4096xf32, #tpu.memory_space<hbm>>)
      %mul3A_101 = arith.constant 8 : i32
      %mul3A_102 = arith.muli %add3A_94, %mul3A_101 : i32
      %multiple_of3A_103 = tpu.assume_multiple %mul3A_102, 8 : i32
      %add3A_104 = arith.addi %mul3A_2, %multiple_of3A_103 : i32
      %dma_start3A_105 = arith.constant 0 : i32
      %dma_start3A_106 = tpu.memref_slice %arg4[%add3A_104, %dma_start3A_105] : memref<32768x4096xf32, #tpu.memory_space<hbm>> -> memref<8x4096xf32, #tpu.memory_space<hbm>>
      %dma_start3A_107 = arith.constant 0 : i32
      %dma_start3A_108 = tpu.memref_slice %arg4[%add3A_104, %dma_start3A_107] : memref<32768x4096xf32, #tpu.memory_space<hbm>> -> memref<8x4096xf32, #tpu.memory_space<hbm>>
      tpu.enqueue_dma source(%arg7 : memref<8x4096xf32, #tpu.memory_space<vmem>>) target(%dma_start3A_108 : memref<8x4096xf32, #tpu.memory_space<hbm>>) target_semaphore(%arg13 : memref<!tpu.dma_semaphore, #tpu.memory_space<semaphore_mem>>)
      %ge3A_109 = arith.constant 1 : i32
      %ge3A_110 = arith.cmpi sge, %add3A_94, %ge3A_109 : i32
      %add3A_111 = arith.constant 2 : i32
      %add3A_112 = arith.addi %add3A_94, %add3A_111 : i32
      %lt3A_113 = arith.constant 128 : i32
      %lt3A_114 = arith.cmpi slt, %add3A_112, %lt3A_113 : i32
      %and3A_115 = arith.andi %ge3A_110, %lt3A_114 : i1
      %convert_element_type3A_116 = arith.extui %and3A_115 : i1 to i32
      %cond3A_117 = arith.constant 0 : i32
      %cond3A_118 = arith.cmpi ne, %convert_element_type3A_116, %cond3A_117 : i32
      scf.if %cond3A_118 {
        %dma_wait3A_147 = arith.constant 0 : i32
        %dma_wait3A_148 = arith.constant 0 : i32
        %dma_wait3A_149 = tpu.memref_slice %arg4[%dma_wait3A_147, %dma_wait3A_148] : memref<32768x4096xf32, #tpu.memory_space<hbm>> -> memref<8x4096xf32, #tpu.memory_space<hbm>>
        %dma_wait3A_150 = arith.constant 0 : i32
        %dma_wait3A_151 = arith.constant 0 : i32
        %dma_wait3A_152 = tpu.memref_slice %arg4[%dma_wait3A_150, %dma_wait3A_151] : memref<32768x4096xf32, #tpu.memory_space<hbm>> -> memref<8x4096xf32, #tpu.memory_space<hbm>>
        tpu.wait_dma2 semaphore(%arg12 : memref<!tpu.dma_semaphore, #tpu.memory_space<semaphore_mem>>) src(%arg6 : memref<8x4096xf32, #tpu.memory_space<vmem>>) dst(%dma_wait3A_152 : memref<8x4096xf32, #tpu.memory_space<hbm>>)
        %add3A_153 = arith.constant 2 : i32
        %add3A_154 = arith.addi %add3A_94, %add3A_153 : i32
        %mul3A_155 = arith.constant 8 : i32
        %mul3A_156 = arith.muli %add3A_154, %mul3A_155 : i32
        %multiple_of3A_157 = tpu.assume_multiple %mul3A_156, 8 : i32
        %dma_start3A_158 = tpu.memref_slice %arg5[%multiple_of3A_157] : memref<1024xi32, #tpu.memory_space<vmem>> -> memref<8xi32, #tpu.memory_space<vmem>>
        %dma_start3A_159 = arith.constant 0 : i32
        %dma_start3A_160 = arith.constant 0 : i32
        %dma_start3A_161 = tpu.memref_slice %arg3[%dma_start3A_159, %dma_start3A_160] : memref<32000x4096xf32, #tpu.memory_space<hbm>> -> memref<32000x4096xf32, #tpu.memory_space<hbm>>
        tpu.enqueue_indirect_dma source(%dma_start3A_161 : memref<32000x4096xf32, #tpu.memory_space<hbm>>) target(%arg6 : memref<8x4096xf32, #tpu.memory_space<vmem>>) offsets(%dma_start3A_158 : memref<8xi32, #tpu.memory_space<vmem>>) semaphore(%arg9 : memref<!tpu.dma_semaphore, #tpu.memory_space<semaphore_mem>>)
      } else {
      }
      %mul3A_119 = arith.constant 3 : i32
      %mul3A_120 = arith.muli %scan3A_67, %mul3A_119 : i32
      %add3A_121 = arith.constant 2 : i32
      %add3A_122 = arith.addi %mul3A_120, %add3A_121 : i32
      %dma_wait3A_123 = arith.constant 0 : i32
      %dma_wait3A_124 = arith.constant 0 : i32
      %dma_wait3A_125 = tpu.memref_slice %arg4[%dma_wait3A_123, %dma_wait3A_124] : memref<32768x4096xf32, #tpu.memory_space<hbm>> -> memref<8x4096xf32, #tpu.memory_space<hbm>>
      %dma_wait3A_126 = arith.constant 0 : i32
      %dma_wait3A_127 = arith.constant 0 : i32
      %dma_wait3A_128 = tpu.memref_slice %arg4[%dma_wait3A_126, %dma_wait3A_127] : memref<32768x4096xf32, #tpu.memory_space<hbm>> -> memref<8x4096xf32, #tpu.memory_space<hbm>>
      tpu.wait_dma2 semaphore(%arg11 : memref<!tpu.dma_semaphore, #tpu.memory_space<semaphore_mem>>) src(%arg8 : memref<8x4096xf32, #tpu.memory_space<vmem>>) dst(%dma_wait3A_128 : memref<8x4096xf32, #tpu.memory_space<hbm>>)
      %mul3A_129 = arith.constant 8 : i32
      %mul3A_130 = arith.muli %add3A_122, %mul3A_129 : i32
      %multiple_of3A_131 = tpu.assume_multiple %mul3A_130, 8 : i32
      %add3A_132 = arith.addi %mul3A_2, %multiple_of3A_131 : i32
      %dma_start3A_133 = arith.constant 0 : i32
      %dma_start3A_134 = tpu.memref_slice %arg4[%add3A_132, %dma_start3A_133] : memref<32768x4096xf32, #tpu.memory_space<hbm>> -> memref<8x4096xf32, #tpu.memory_space<hbm>>
      %dma_start3A_135 = arith.constant 0 : i32
      %dma_start3A_136 = tpu.memref_slice %arg4[%add3A_132, %dma_start3A_135] : memref<32768x4096xf32, #tpu.memory_space<hbm>> -> memref<8x4096xf32, #tpu.memory_space<hbm>>
      tpu.enqueue_dma source(%arg8 : memref<8x4096xf32, #tpu.memory_space<vmem>>) target(%dma_start3A_136 : memref<8x4096xf32, #tpu.memory_space<hbm>>) target_semaphore(%arg14 : memref<!tpu.dma_semaphore, #tpu.memory_space<semaphore_mem>>)
      %ge3A_137 = arith.constant 1 : i32
      %ge3A_138 = arith.cmpi sge, %add3A_122, %ge3A_137 : i32
      %add3A_139 = arith.constant 2 : i32
      %add3A_140 = arith.addi %add3A_122, %add3A_139 : i32
      %lt3A_141 = arith.constant 128 : i32
      %lt3A_142 = arith.cmpi slt, %add3A_140, %lt3A_141 : i32
      %and3A_143 = arith.andi %ge3A_138, %lt3A_142 : i1
      %convert_element_type3A_144 = arith.extui %and3A_143 : i1 to i32
      %cond3A_145 = arith.constant 0 : i32
      %cond3A_146 = arith.cmpi ne, %convert_element_type3A_144, %cond3A_145 : i32
      scf.if %cond3A_146 {
        %dma_wait3A_147 = arith.constant 0 : i32
        %dma_wait3A_148 = arith.constant 0 : i32
        %dma_wait3A_149 = tpu.memref_slice %arg4[%dma_wait3A_147, %dma_wait3A_148] : memref<32768x4096xf32, #tpu.memory_space<hbm>> -> memref<8x4096xf32, #tpu.memory_space<hbm>>
        %dma_wait3A_150 = arith.constant 0 : i32
        %dma_wait3A_151 = arith.constant 0 : i32
        %dma_wait3A_152 = tpu.memref_slice %arg4[%dma_wait3A_150, %dma_wait3A_151] : memref<32768x4096xf32, #tpu.memory_space<hbm>> -> memref<8x4096xf32, #tpu.memory_space<hbm>>
        tpu.wait_dma2 semaphore(%arg13 : memref<!tpu.dma_semaphore, #tpu.memory_space<semaphore_mem>>) src(%arg7 : memref<8x4096xf32, #tpu.memory_space<vmem>>) dst(%dma_wait3A_152 : memref<8x4096xf32, #tpu.memory_space<hbm>>)
        %add3A_153 = arith.constant 2 : i32
        %add3A_154 = arith.addi %add3A_122, %add3A_153 : i32
        %mul3A_155 = arith.constant 8 : i32
        %mul3A_156 = arith.muli %add3A_154, %mul3A_155 : i32
        %multiple_of3A_157 = tpu.assume_multiple %mul3A_156, 8 : i32
        %dma_start3A_158 = tpu.memref_slice %arg5[%multiple_of3A_157] : memref<1024xi32, #tpu.memory_space<vmem>> -> memref<8xi32, #tpu.memory_space<vmem>>
        %dma_start3A_159 = arith.constant 0 : i32
        %dma_start3A_160 = arith.constant 0 : i32
        %dma_start3A_161 = tpu.memref_slice %arg3[%dma_start3A_159, %dma_start3A_160] : memref<32000x4096xf32, #tpu.memory_space<hbm>> -> memref<32000x4096xf32, #tpu.memory_space<hbm>>
        tpu.enqueue_indirect_dma source(%dma_start3A_161 : memref<32000x4096xf32, #tpu.memory_space<hbm>>) target(%arg7 : memref<8x4096xf32, #tpu.memory_space<vmem>>) offsets(%dma_start3A_158 : memref<8xi32, #tpu.memory_space<vmem>>) semaphore(%arg10 : memref<!tpu.dma_semaphore, #tpu.memory_space<semaphore_mem>>)
      } else {
      }
    }
    %scan3A_23 = arith.constant 42 : i32
    %dma_wait3A = arith.constant 0 : i32
    %dma_wait3A_24 = arith.constant 0 : i32
    %dma_wait3A_25 = tpu.memref_slice %arg4[%dma_wait3A, %dma_wait3A_24] : memref<32768x4096xf32, #tpu.memory_space<hbm>> -> memref<8x4096xf32, #tpu.memory_space<hbm>>
    %dma_wait3A_26 = arith.constant 0 : i32
    %dma_wait3A_27 = arith.constant 0 : i32
    %dma_wait3A_28 = tpu.memref_slice %arg4[%dma_wait3A_26, %dma_wait3A_27] : memref<32768x4096xf32, #tpu.memory_space<hbm>> -> memref<8x4096xf32, #tpu.memory_space<hbm>>
    tpu.wait_dma2 semaphore(%arg9 : memref<!tpu.dma_semaphore, #tpu.memory_space<semaphore_mem>>) src(%arg6 : memref<8x4096xf32, #tpu.memory_space<vmem>>) dst(%dma_wait3A_28 : memref<8x4096xf32, #tpu.memory_space<hbm>>)
    %multiple_of3A_29 = arith.constant 1008 : i32
    %multiple_of3A_30 = tpu.assume_multiple %multiple_of3A_29, 8 : i32
    %add3A_31 = arith.addi %mul3A_2, %multiple_of3A_30 : i32
    %dma_start3A_32 = arith.constant 0 : i32
    %dma_start3A_33 = tpu.memref_slice %arg4[%add3A_31, %dma_start3A_32] : memref<32768x4096xf32, #tpu.memory_space<hbm>> -> memref<8x4096xf32, #tpu.memory_space<hbm>>
    %dma_start3A_34 = arith.constant 0 : i32
    %dma_start3A_35 = tpu.memref_slice %arg4[%add3A_31, %dma_start3A_34] : memref<32768x4096xf32, #tpu.memory_space<hbm>> -> memref<8x4096xf32, #tpu.memory_space<hbm>>
    tpu.enqueue_dma source(%arg6 : memref<8x4096xf32, #tpu.memory_space<vmem>>) target(%dma_start3A_35 : memref<8x4096xf32, #tpu.memory_space<hbm>>) target_semaphore(%arg12 : memref<!tpu.dma_semaphore, #tpu.memory_space<semaphore_mem>>)
    %dma_wait3A_36 = arith.constant 0 : i32
    %dma_wait3A_37 = arith.constant 0 : i32
    %dma_wait3A_38 = tpu.memref_slice %arg4[%dma_wait3A_36, %dma_wait3A_37] : memref<32768x4096xf32, #tpu.memory_space<hbm>> -> memref<8x4096xf32, #tpu.memory_space<hbm>>
    %dma_wait3A_39 = arith.constant 0 : i32
    %dma_wait3A_40 = arith.constant 0 : i32
    %dma_wait3A_41 = tpu.memref_slice %arg4[%dma_wait3A_39, %dma_wait3A_40] : memref<32768x4096xf32, #tpu.memory_space<hbm>> -> memref<8x4096xf32, #tpu.memory_space<hbm>>
    tpu.wait_dma2 semaphore(%arg10 : memref<!tpu.dma_semaphore, #tpu.memory_space<semaphore_mem>>) src(%arg7 : memref<8x4096xf32, #tpu.memory_space<vmem>>) dst(%dma_wait3A_41 : memref<8x4096xf32, #tpu.memory_space<hbm>>)
    %multiple_of3A_42 = arith.constant 1016 : i32
    %multiple_of3A_43 = tpu.assume_multiple %multiple_of3A_42, 8 : i32
    %add3A_44 = arith.addi %mul3A_2, %multiple_of3A_43 : i32
    %dma_start3A_45 = arith.constant 0 : i32
    %dma_start3A_46 = tpu.memref_slice %arg4[%add3A_44, %dma_start3A_45] : memref<32768x4096xf32, #tpu.memory_space<hbm>> -> memref<8x4096xf32, #tpu.memory_space<hbm>>
    %dma_start3A_47 = arith.constant 0 : i32
    %dma_start3A_48 = tpu.memref_slice %arg4[%add3A_44, %dma_start3A_47] : memref<32768x4096xf32, #tpu.memory_space<hbm>> -> memref<8x4096xf32, #tpu.memory_space<hbm>>
    tpu.enqueue_dma source(%arg7 : memref<8x4096xf32, #tpu.memory_space<vmem>>) target(%dma_start3A_48 : memref<8x4096xf32, #tpu.memory_space<hbm>>) target_semaphore(%arg13 : memref<!tpu.dma_semaphore, #tpu.memory_space<semaphore_mem>>)
    %dma_wait3A_49 = arith.constant 0 : i32
    %dma_wait3A_50 = arith.constant 0 : i32
    %dma_wait3A_51 = tpu.memref_slice %arg4[%dma_wait3A_49, %dma_wait3A_50] : memref<32768x4096xf32, #tpu.memory_space<hbm>> -> memref<8x4096xf32, #tpu.memory_space<hbm>>
    %dma_wait3A_52 = arith.constant 0 : i32
    %dma_wait3A_53 = arith.constant 0 : i32
    %dma_wait3A_54 = tpu.memref_slice %arg4[%dma_wait3A_52, %dma_wait3A_53] : memref<32768x4096xf32, #tpu.memory_space<hbm>> -> memref<8x4096xf32, #tpu.memory_space<hbm>>
    tpu.wait_dma2 semaphore(%arg14 : memref<!tpu.dma_semaphore, #tpu.memory_space<semaphore_mem>>) src(%arg8 : memref<8x4096xf32, #tpu.memory_space<vmem>>) dst(%dma_wait3A_54 : memref<8x4096xf32, #tpu.memory_space<hbm>>)
    %dma_wait3A_55 = arith.constant 0 : i32
    %dma_wait3A_56 = arith.constant 0 : i32
    %dma_wait3A_57 = tpu.memref_slice %arg4[%dma_wait3A_55, %dma_wait3A_56] : memref<32768x4096xf32, #tpu.memory_space<hbm>> -> memref<8x4096xf32, #tpu.memory_space<hbm>>
    %dma_wait3A_58 = arith.constant 0 : i32
    %dma_wait3A_59 = arith.constant 0 : i32
    %dma_wait3A_60 = tpu.memref_slice %arg4[%dma_wait3A_58, %dma_wait3A_59] : memref<32768x4096xf32, #tpu.memory_space<hbm>> -> memref<8x4096xf32, #tpu.memory_space<hbm>>
    tpu.wait_dma2 semaphore(%arg12 : memref<!tpu.dma_semaphore, #tpu.memory_space<semaphore_mem>>) src(%arg6 : memref<8x4096xf32, #tpu.memory_space<vmem>>) dst(%dma_wait3A_60 : memref<8x4096xf32, #tpu.memory_space<hbm>>)
    %dma_wait3A_61 = arith.constant 0 : i32
    %dma_wait3A_62 = arith.constant 0 : i32
    %dma_wait3A_63 = tpu.memref_slice %arg4[%dma_wait3A_61, %dma_wait3A_62] : memref<32768x4096xf32, #tpu.memory_space<hbm>> -> memref<8x4096xf32, #tpu.memory_space<hbm>>
    %dma_wait3A_64 = arith.constant 0 : i32
    %dma_wait3A_65 = arith.constant 0 : i32
    %dma_wait3A_66 = tpu.memref_slice %arg4[%dma_wait3A_64, %dma_wait3A_65] : memref<32768x4096xf32, #tpu.memory_space<hbm>> -> memref<8x4096xf32, #tpu.memory_space<hbm>>
    tpu.wait_dma2 semaphore(%arg13 : memref<!tpu.dma_semaphore, #tpu.memory_space<semaphore_mem>>) src(%arg7 : memref<8x4096xf32, #tpu.memory_space<vmem>>) dst(%dma_wait3A_66 : memref<8x4096xf32, #tpu.memory_space<hbm>>)
    return
  }
}

</mosaic_0001>

<sc_bundles>
// kernel: kernel.3.cloned.1.call-start
scs
__scs_entry_jumppad:
0x0: {  	(pc) =	sbr.rel $0x88, $3  }
0x1: {  	(tag) =	ssettag $0x0;
	lr =	simm.s32 $0x1  }
0x2: {  	[smem:$0x3F9F] =	sst lr;
	_ =	strace $0xD0000000  }
0x3: {  	_ = 	snop  }
0x4: {  	_ = 	snop  }
0x5: {  	_ = 	snop  }
0x6: {  	_ = 	snop  }
0x7: {  	_ = 	snop  }
__scs_overlays_trampoline_lowered:
0x8: {  	[smem:$0x3FAE] =	sst s0  }
0x9: {  	[smem:$0x3FAF] =	sst s1  }
0xa: {  	[smem:$0x3FB0] =	sst s2  }
0xb: {  	[smem:$0x3FB1] =	sst s3  }
0xc: {  	[smem:$0x3FB2] =	sst s4  }
0xd: {  	[smem:$0x3FB3] =	sst s5  }
0xe: {  	[smem:$0x3FB4] =	sst s6  }
0xf: {  	[smem:$0x3FB5] =	sst s7  }
0x10: {  	[smem:$0x3FB6] =	sst s8  }
0x11: {  	[smem:$0x3FB7] =	sst s9;
	s0 =	simm.s32 @!p0 $0x0  }
0x12: {  	s1 =	sld [smem:$0x3F9D];
	s0 =	simm.s32 @p0 $0x1  }
0x13: {  	[smem:$0x3FB8] =	sst s0;
	s0 =	simm.s32 @!p1 $0x0  }
0x14: {  	s2 =	sld [smem:$0x3F9C];
	s0 =	simm.s32 @p1 $0x1  }
0x15: {  	[smem:$0x3FB9] =	sst s0;
	s0 =	simm.s32 @!p2 $0x0  }
0x16: {  	s3 =	sld [smem:$0x3FDB];
	s0 =	simm.s32 @p2 $0x1  }
0x17: {  	s4 =	simm.s32 $0x1BF5;
	[smem:$0x3FBB] =	sst s0  }
0x18: {  	s0 =	sld [smem:$0x3F9E];
	_ =	swait.ge [sflag:s4], $0x0  }
0x19: {  	s7 =	sld [smem:$0x3F9F]  }
0x1a: {  	s8 =	sadd.s32 $0xFFFFE003, lr  }
0x1b: {  	s9 =	sadd.s32 $0xFFFFFEF7, lr;
	s5 =	simm.s32 $0xFFFFFFFF;
	p2 =	slt.u32 s8, $0xFFFFF086  }
0x1c: {  	p1 =	slt.u32 s9, $0xF7A;
	s5 =	simm.s32 @!p2 $0x0  }
0x1d: {  	s5 =	simm.s32 @p1 $0x1;
	p0 =	seq.s32 s7, s2  }
0x1e: {  	s7 =	smul.u32 @!p0 $0xF7A, s2;
	p2 =	seq.s32 @!p0 s5, $0x0  }
0x1f: {  	s9 =	smul.u32 $0xF7A, s1;
	s8 =	simm.s32 @!p0 $0x1BF5;
	p2 =	por !p2, p0  }
0x20: {  	[sflag:s8] =	ssyncset.s32 @!p0 $0xFFFFF086;
	s6 =	sadd.s32 @!p0 s3, s7;
	s7 =	simm.s32 @!p0 $0x108  }
0x21: {  	s3 =	sadd.s32 s3, s9;
	s6 =	sadd.s32 @!p0 $0x88, s6;
	s7 =	simm.s32 @p2 $0x1082  }
0x22: {  	[simem:s7], [sflag:s8] =	dma.local @!p0 [hbm:s6], $0xF7A  }
0x23: {  	s9 =	sor.u32 $0xD0000000, s2;
	s6 =	simm.s32 $0x108;
	_ =	swait.ge @!p0 [sflag:s8], $0x0  }
0x24: {  	s3 =	sadd.s32 $0x88, s3;
	s6 =	simm.s32 @!p1 $0x1082;
	[sflag:s4] =	ssyncset.s32 $0xFFFFF086  }
0x25: {  	[simem:s6], [sflag:s4] =	dma.local [hbm:s3], $0xF7A  }
0x26: {  	[smem:$0x3F9F] =	sst s1;
	(tag) =	ssettag s2;
	_ =	strace s9  }
0x27: {  	s1 =	sld [smem:$0x3FAF]  }
0x28: {  	s2 =	sld [smem:$0x3FB0]  }
0x29: {  	s4 =	sld [smem:$0x3FB2]  }
0x2a: {  	p0 =	seq.s32 s5, $0x0;
	s5 =	sld [smem:$0x3FB3]  }
0x2b: {  	s6 =	sld [smem:$0x3FB4]  }
0x2c: {  	s7 =	sld [smem:$0x3FB5]  }
0x2d: {  	s3 =	simm.s32 $0x108;
	s8 =	sld [smem:$0x3FB6]  }
0x2e: {  	s3 =	simm.s32 @!p0 $0x1082;
	s9 =	sld [smem:$0x3FB7]  }
0x2f: {  	lr =	sadd.s32 s0, s3;
	s0 =	sld [smem:$0x3FAE]  }
0x30: {  	s3 =	sld [smem:$0x3FB1]  }
0x31: {  	[smem:$0x3FBA] =	sst s10  }
0x32: {  	s10 =	sld [smem:$0x3FB8];
	_ =	sdelay $0x3  }
0x33: {  	p0 =	seq.s32 s10, $0x1;
	s10 =	sld [smem:$0x3FBA];
	_ =	sdelay $0x3  }
0x34: {  	[smem:$0x3FBA] =	sst s10  }
0x35: {  	s10 =	sld [smem:$0x3FB9];
	_ =	sdelay $0x3  }
0x36: {  	p1 =	seq.s32 s10, $0x1;
	s10 =	sld [smem:$0x3FBA];
	_ =	sdelay $0x3  }
0x37: {  	[smem:$0x3FBA] =	sst s10  }
0x38: {  	s10 =	sld [smem:$0x3FBB]  }
0x39: {  	_ = 	snop;
	(pc) =	sbr.ind lr, $3  }
0x3a: {  	_ = 	snop  }
0x3b: {  	_ = 	snop  }
0x3c: {  	p2 =	seq.s32 s10, $0x1;
	s10 =	sld [smem:$0x3FBA]  }
0x3d: {  	_ =	shalt  }
0x3e: {  	_ =	shalt  }
0x3f: {  	_ =	shalt  }
0x40: {  	_ =	shalt  }
0x41: {  	_ =	shalt  }
0x42: {  	_ =	shalt  }
0x43: {  	_ =	shalt  }
0x44: {  	_ =	shalt  }
0x45: {  	_ =	shalt  }
0x46: {  	_ =	shalt  }
0x47: {  	_ =	shalt  }
0x48: {  	_ =	shalt  }
0x49: {  	_ =	shalt  }
0x4a: {  	_ =	shalt  }
0x4b: {  	_ =	shalt  }
0x4c: {  	_ =	shalt  }
0x4d: {  	_ =	shalt  }
0x4e: {  	_ =	shalt  }
0x4f: {  	_ =	shalt  }
0x50: {  	_ =	shalt  }
0x51: {  	_ =	shalt  }
0x52: {  	_ =	shalt  }
0x53: {  	_ =	shalt  }
0x54: {  	_ =	shalt  }
0x55: {  	_ =	shalt  }
0x56: {  	_ =	shalt  }
0x57: {  	_ =	shalt  }
0x58: {  	_ =	shalt  }
0x59: {  	_ =	shalt  }
0x5a: {  	_ =	shalt  }
0x5b: {  	_ =	shalt  }
0x5c: {  	_ =	shalt  }
0x5d: {  	_ =	shalt  }
0x5e: {  	_ =	shalt  }
0x5f: {  	_ =	shalt  }
0x60: {  	_ =	shalt  }
0x61: {  	_ =	shalt  }
0x62: {  	_ =	shalt  }
0x63: {  	_ =	shalt  }
0x64: {  	_ =	shalt  }
0x65: {  	_ =	shalt  }
0x66: {  	_ =	shalt  }
0x67: {  	_ =	shalt  }
0x68: {  	_ =	shalt  }
0x69: {  	_ =	shalt  }
0x6a: {  	_ =	shalt  }
0x6b: {  	_ =	shalt  }
0x6c: {  	_ =	shalt  }
0x6d: {  	_ =	shalt  }
0x6e: {  	_ =	shalt  }
0x6f: {  	_ =	shalt  }
0x70: {  	_ =	shalt  }
0x71: {  	_ =	shalt  }
0x72: {  	_ =	shalt  }
0x73: {  	_ =	shalt  }
0x74: {  	_ =	shalt  }
0x75: {  	_ =	shalt  }
0x76: {  	_ =	shalt  }
0x77: {  	_ =	shalt  }
0x78: {  	_ =	shalt  }
0x79: {  	_ =	shalt  }
0x7a: {  	_ =	shalt  }
0x7b: {  	_ =	shalt  }
0x7c: {  	_ =	shalt  }
0x7d: {  	_ =	shalt  }
0x7e: {  	_ =	shalt  }
0x7f: {  	_ =	shalt  }
0x80: {  	_ =	shalt  }
0x81: {  	_ =	shalt  }
0x82: {  	_ =	shalt  }
0x83: {  	_ =	shalt  }
0x84: {  	_ =	shalt  }
0x85: {  	_ =	shalt  }
0x86: {  	_ =	shalt  }
0x87: {  	_ =	shalt  }
.Lfunc_end0:
.L_simem_size_0:
called_computation_lowered:
.L_overlay_start_0:
0x88: {  	s2 =	sld [smem:$0x3FD9]  }
0x89: {  	s3 =	sld [smem:$0x3FFE];
	_ =	sdelay $0x1  }
0x8a: {  	s1 =	srdreg.scid  }
0x8b: {  	s0 =	sand.u32 $0x1, s1  }
0x8c: {  	s17 =	sshll.u32 s0, $0xA;
	s2 =	sadd.s32 s3, s2  }
0x8d: {  	s2 =	sadd.s32 s2, s17  }
0x8e: {  	[smem:$0x3FC6] =	sst s2  }
0x8f: {  	_ = 	snop  }
0x90: {  	s2 =	sld [smem:$0x3FC8]  }
0x91: {  	s18 =	sld [smem:$0x3FD0];
	(tm) =	ssettm $0x1  }
0x92: {  	s4 =	sld [smem:$0x3FFB];
	_ =	sdelay $0x3  }
0x93: {  	_ =	strace s4  }
0x94: {  	s4 =	sld [smem:$0x3FFC];
	_ =	sdelay $0x3  }
0x95: {  	_ =	strace s4  }
0x96: {  	s4 =	sld [smem:$0x3FFD];
	_ =	sdelay $0x3  }
0x97: {  	_ =	strace s4  }
0x98: {  	_ =	strace $0x8FFFFFFF  }
0x99: {  	s19 =	sld [smem:$0x3FDB];
	_ =	sdelay $0x1  }
0x9a: {  	s5 =	simm.s32 $_scs_section_size  }
0x9b: {  	s6 =	simm.s32 $_size__tile_overlayer_lowered;
	s7 =	simm.s32 $_tile_overlayer_lowered  }
0x9c: {  	s22 =	simm.s32 $0x1BFF;
	s21 =	sshll.u32 s7, $0x1;
	s4 =	sadd.s32 s5, s19  }
0x9d: {  	s8 =	simm.s32 $0x0;
	s20 =	sshll.u32 s6, $0x1;
	s6 =	sadd.s32 s21, s4  }
0x9e: {  	[timem:s8], [sflag:s22] =	dma.local [hbm:s6], s20  }
0x9f: {  	_ =	swait.ge [sflag:s22], s20  }
0xa0: {  	s5 =	ssub.s32 $0x0, s20;
	[sflag:s22] =	ssyncset.done $0x0  }
0xa1: {  	[sflag:s22] =	ssyncadd.s32 s5;
	_ =	sdelay $0x1  }
0xa2: {  	s23 =	simm.s32 $0x1B8B  }
0xa3: {  	_ =	swait.ge [sflag:s23], $0x1  }
0xa4: {  	[sflag:s23] =	ssyncset.done $0x0  }
0xa5: {  	s25 =	simm.s32 $0x1B8E;
	s24 =	sld [smem:$0x3FFE];
	[sflag:s23] =	ssyncadd.s32 $0xFFFFFFFF  }
0xa6: {  	s26 =	simm.s32 $execute0_lowered;
	[smem:$0x3FD2] =	sst s25  }
0xa7: {  	s6 =	sshll.u32 s26, $0x1;
	_ =	strace $0x80000046;
	[dreg:$0x1] =	wrdreg $0xFFFFFFFF  }
0xa8: {  	s28 =	simm.s32 $_size_execute0_lowered;
	s4 =	sadd.s32 s4, s6;
	[dreg:$0x0] =	wrdreg $0x0  }
0xa9: {  	s6 =	sshll.u32 s28, $0x1;
	[dreg:$0x2] =	wrdreg s4  }
0xaa: {  	[dreg:$0x3] =	wrdreg s6  }
0xab: {  	[dreg:$0x4] =	wrdreg $0xC0  }
0xac: {  	_ =	task [dreg:s8], $0x5FFFF  }
0xad: {  	[dreg:$0x1] =	wrdreg $0xFFFFFFFF  }
0xae: {  	[dreg:$0x0] =	wrdreg $0x60  }
0xaf: {  	[dreg:$0x2] =	wrdreg s24  }
0xb0: {  	[dreg:$0x3] =	wrdreg s2  }
0xb1: {  	[dreg:$0x4] =	wrdreg s18  }
0xb2: {  	[dreg:$0x5] =	wrdreg $0x9  }
0xb3: {  	_ =	task.clear_ibuf [dreg:s8], $0x6FFFF;
	_ =	strace $0x90000046  }
0xb4: {  	s29 =	simm.s32 $0x9;
	_ =	strace $0x80000048  }
0xb5: {  	_ =	swait.ge [sflag:s29], $0x1  }
0xb6: {  	[sflag:s29] =	ssyncadd.s32 $0xFFFFFFFF  }
0xb7: {  	_ =	strace $0x90000048  }
0xb8: {  	_ =	sfence  }
0xb9: {  	s30 =	sld [smem:$0x0];
	_ =	sdelay $0x2  }
0xba: {  	s31 =	sshll.u32 s1, $0xD;
	s1 =	sshrl.u32 s1, $0x2  }
0xbb: {  	s3 =	sand.u32 $0x4000, s31;
	s1 =	sadd.s32 s1, s30  }
0xbc: {  	s0 =	sor.u32 s3, s0;
	s1 =	sshll.u32 s1, $0x11  }
0xbd: {  	s0 =	sor.u32 s1, s0  }
0xbe: {  	s0 =	sadd.s32 $0x8F2B, s0  }
0xbf: {  	[sflag:s0] =	ssyncadd.remote.s32 $0x1  }
0xc0: {  	_ =	sfence.sel $0xFFFF  }
0xc1: {  	[dreg:$0x0] =	wrdreg $0xFFFFFFFF;
	(pc) =	sbr.abs _section_cstart, $3  }
0xc2: {  	[dreg:$0x1] =	wrdreg $0xFFFFFFFF  }
0xc3: {  	_ =	task.clear_ibuf [dreg:s8], $0x2FFFF;
	_ =	strace $0x9FFFFFFF  }
0xc4: {  	(tm) =	ssettm $0x7FFFFFFF  }
0xc5: {  	_ =	shalt  }
tec
execute0_lowered:
.L_overlay_start_1:
0x0: {  	(tag) =	ssettag $0x1  }
0x1: {  	s0 =	rddreg [dreg:$0x0]  }
0x2: {  	s1 =	srdreg.scid;
	s2 =	rddreg [dreg:$0x1]  }
0x3: {  	s22 =	stileid.u32;
	s4 =	rddreg [dreg:$0x2];
	s29 =	simm.s32 $0x2C00  }
0x4: {  	s31 =	simm.s32 $0x3400;
	s30 =	simm.s32 $0x8400;
	s28 =	simm.s32 $0x5  }
0x5: {  	s1 =	sand.u32 $0x1, s1;
	s3 =	sshll.u32 s22, $0xB;
	s7 =	sadd.s32 $0x300, s2  }
0x6: {  	s8 =	sadd.s32 $0x400, s2;
	s9 =	sadd.s32 $0x500, s2;
	s10 =	sadd.s32 $0x600, s2  }
0x7: {  	s11 =	sadd.s32 $0x700, s2;
	s12 =	sadd.s32 $0x800, s2;
	s13 =	sadd.s32 $0x900, s2  }
0x8: {  	s14 =	sadd.s32 $0xA00, s2;
	s15 =	sadd.s32 $0xB00, s2;
	s16 =	sadd.s32 $0xC00, s2  }
0x9: {  	s17 =	sadd.s32 $0xD00, s2;
	s23 =	sshll.u32 s22, $0x14;
	s22 =	simm.s32 $0x1  }
0xa: {  	s5 =	sshll.u32 s1, $0xA;
	s6 =	ssub.s32 $0x2, s1;
	s1 =	sshll.u32 s1, $0x13  }
0xb: {  	s19 =	sor.u32 s5, s3;
	s3 =	simm.s32 $0x0;
	s18 =	sshrl.u32 s6, $0x1  }
0xc: {  	s5 =	sshrl.u32 s19, $0x3;
	[smem:$0x7FF] =	sst s3;
	s21 =	ssub.s32 s6, s18  }
0xd: {  	s6 =	sadd.s32 $0x200, s2;
	s18 =	sadd.s32 $0xE00, s2;
	s20 =	sshll.u32 s19, $0x9  }
0xe: {  	s19 =	sadd.s32 $0xF00, s2;
	s0 =	sadd.s32 s5, s0;
	s20 =	sadd.s32 s20, s4  }
0xf: {  	_ =	strace $0x80000047;
	s26 =	smax.u32 s21, $0x1;
	[dreg:$0x9] =	wrdreg s20  }
0x10: {  	s5 =	sadd.s32 $0x100, s2;
	s0 =	sadd.s32 $0x400, s0;
	[dreg:$0x8] =	wrdreg s26  }
0x11: {  	s21 =	simm.s32 $0x1C00;
	s24 =	sadd.s32 $0x7E000, s20;
	[dreg:$0x5] =	wrdreg s0  }
0x12: {  	s25 =	sadd.s32 $0x7F000, s20;
	s20 =	simm.s32 $0x2400;
	[dreg:$0x6] =	wrdreg s24  }
0x13: {  	s26 =	simm.s32 $0x3;
	s0 =	sadd.s32 s23, s4;
	[dreg:$0x7] =	wrdreg s25  }
0x14: {  	v0 =	vlaneseq.u32;
	s4 =	simm.s32 $0x400;
	s25 =	simm.s32 $0x1400;
	s0 =	sadd.s32 s1, s0  }
0x15: {  	v1 =	vshrl.u32 v0, $0x3;
	s23 =	simm.s32 $0x2;
	[dreg:$0x4] =	wrdreg s0;
	s0 =	simm.s32 $0x0  }
0x16: {  	vm0 =	vmmov $0xffff;
	v0 =	vand.u32 $0x7, v0;
	v1 =	vmul.u32 $0x8, v1;
	s24 =	simm.s32 $0x4;
	s1 =	simm.s32 $0xC00;
	[dreg:$0xa] =	wrdreg s0  }
.LBB2_1:
0x17: {  	s0 =	rddreg [dreg:$0x5]  }
0x18: {  	[tilespmem:s3], [sflag:$0x7] =	stream.linear.gather [hbm4b:s0+s3], $0x400, $0x38;
	[tilespmem:$0x18400] =	vst v63  }
0x19: {  	s0 =	simm.s32 $0x7  }
0x1a: {  	_ =	swait.ge [sflag:s0], $0x400  }
0x1b: {  	[sflag:s0] =	ssyncset.done $0x0  }
0x1c: {  	[sflag:s0] =	ssyncadd.s32 $0xFFFFFC00  }
0x1d: {  	v2 =	vld.msk [tilespmem:$0x0], $0xff;
	_ =	sdelay $0x4  }
0x1e: {  	v3 =	vshll.u32 v2, $0x5  }
0x1f: {  	v2 =	vand.u32 $0x7, v2;
	v3 =	vand.u32 $0xFFFFFF00, v3  }
0x20: {  	v2 =	vor.u32 v2, v3  }
0x21: {  	v2 =	vperm.xlane v2, v0;
	_ =	sdelay $0x1  }
0x22: {  	v2 =	vadd.s32 v1, v2;
	_ =	sdelay $0x4  }
0x23: {  	[tilespmem:s4], [sflag:$0x1] =	stream.indirect_vreg.gather [hbm4b:s2+s3], $0x80, v2, vm0, $0xb8;
	[tilespmem:$0x18400] =	vst v63  }
0x24: {  	_ = 	snop  }
0x25: {  	[tilespmem:s1], [sflag:$0x1] =	stream.indirect_vreg.gather [hbm4b:s5+s3], $0x80, v2, vm0, $0xb8;
	[tilespmem:$0x18400] =	vst v63  }
0x26: {  	_ = 	snop  }
0x27: {  	[tilespmem:s25], [sflag:$0x1] =	stream.indirect_vreg.gather [hbm4b:s6+s3], $0x80, v2, vm0, $0xb8;
	[tilespmem:$0x18400] =	vst v63  }
0x28: {  	_ = 	snop  }
0x29: {  	[tilespmem:s21], [sflag:$0x1] =	stream.indirect_vreg.gather [hbm4b:s7+s3], $0x80, v2, vm0, $0xb8;
	[tilespmem:$0x18400] =	vst v63  }
0x2a: {  	_ = 	snop  }
0x2b: {  	[tilespmem:s20], [sflag:$0x1] =	stream.indirect_vreg.gather [hbm4b:s8+s3], $0x80, v2, vm0, $0xb8;
	[tilespmem:$0x18400] =	vst v63  }
0x2c: {  	_ = 	snop  }
0x2d: {  	[tilespmem:s29], [sflag:$0x1] =	stream.indirect_vreg.gather [hbm4b:s9+s3], $0x80, v2, vm0, $0xb8;
	[tilespmem:$0x18400] =	vst v63  }
0x2e: {  	_ = 	snop  }
0x2f: {  	[tilespmem:s31], [sflag:$0x1] =	stream.indirect_vreg.gather [hbm4b:s10+s3], $0x80, v2, vm0, $0xb8;
	[tilespmem:$0x18400] =	vst v63  }
0x30: {  	s1 =	simm.s32 $0x3C00  }
0x31: {  	[tilespmem:s1], [sflag:$0x1] =	stream.indirect_vreg.gather [hbm4b:s11+s3], $0x80, v2, vm0, $0xb8;
	[tilespmem:$0x18400] =	vst v63  }
0x32: {  	s4 =	simm.s32 $0x4400  }
0x33: {  	[tilespmem:s4], [sflag:$0x1] =	stream.indirect_vreg.gather [hbm4b:s12+s3], $0x80, v2, vm0, $0xb8;
	[tilespmem:$0x18400] =	vst v63  }
0x34: {  	s20 =	simm.s32 $0x4C00  }
0x35: {  	[tilespmem:s20], [sflag:$0x1] =	stream.indirect_vreg.gather [hbm4b:s13+s3], $0x80, v2, vm0, $0xb8;
	[tilespmem:$0x18400] =	vst v63  }
0x36: {  	s21 =	simm.s32 $0x5400  }
0x37: {  	[tilespmem:s21], [sflag:$0x1] =	stream.indirect_vreg.gather [hbm4b:s14+s3], $0x80, v2, vm0, $0xb8;
	[tilespmem:$0x18400] =	vst v63  }
0x38: {  	s25 =	simm.s32 $0x5C00  }
0x39: {  	[tilespmem:s25], [sflag:$0x1] =	stream.indirect_vreg.gather [hbm4b:s15+s3], $0x80, v2, vm0, $0xb8;
	[tilespmem:$0x18400] =	vst v63  }
0x3a: {  	s1 =	simm.s32 $0x6400  }
0x3b: {  	[tilespmem:s1], [sflag:$0x1] =	stream.indirect_vreg.gather [hbm4b:s16+s3], $0x80, v2, vm0, $0xb8;
	[tilespmem:$0x18400] =	vst v63  }
0x3c: {  	s4 =	simm.s32 $0x6C00  }
0x3d: {  	[tilespmem:s4], [sflag:$0x1] =	stream.indirect_vreg.gather [hbm4b:s17+s3], $0x80, v2, vm0, $0xb8;
	[tilespmem:$0x18400] =	vst v63  }
0x3e: {  	s20 =	simm.s32 $0x7400  }
0x3f: {  	[tilespmem:s20], [sflag:$0x1] =	stream.indirect_vreg.gather [hbm4b:s18+s3], $0x80, v2, vm0, $0xb8;
	[tilespmem:$0x18400] =	vst v63  }
0x40: {  	s21 =	simm.s32 $0x7C00  }
0x41: {  	[tilespmem:s21], [sflag:$0x1] =	stream.indirect_vreg.gather [hbm4b:s19+s3], $0x80, v2, vm0, $0xb8;
	[tilespmem:$0x18400] =	vst v63  }
0x42: {  	v2 =	vld.msk [tilespmem:$0x8], $0xff;
	_ =	sdelay $0x4  }
0x43: {  	v3 =	vshll.u32 v2, $0x5  }
0x44: {  	v2 =	vand.u32 $0x7, v2;
	v3 =	vand.u32 $0xFFFFFF00, v3  }
0x45: {  	v2 =	vor.u32 v2, v3  }
0x46: {  	v2 =	vperm.xlane v2, v0;
	_ =	sdelay $0x1  }
0x47: {  	v2 =	vadd.s32 v1, v2;
	_ =	sdelay $0x4  }
0x48: {  	[tilespmem:s30], [sflag:$0x2] =	stream.indirect_vreg.gather [hbm4b:s2+s3], $0x80, v2, vm0, $0xb8;
	[tilespmem:$0x18400] =	vst v63  }
0x49: {  	s25 =	simm.s32 $0x8C00  }
0x4a: {  	[tilespmem:s25], [sflag:$0x2] =	stream.indirect_vreg.gather [hbm4b:s5+s3], $0x80, v2, vm0, $0xb8;
	[tilespmem:$0x18400] =	vst v63  }
0x4b: {  	s1 =	simm.s32 $0x9400  }
0x4c: {  	[tilespmem:s1], [sflag:$0x2] =	stream.indirect_vreg.gather [hbm4b:s6+s3], $0x80, v2, vm0, $0xb8;
	[tilespmem:$0x18400] =	vst v63  }
0x4d: {  	s4 =	simm.s32 $0x9C00  }
0x4e: {  	[tilespmem:s4], [sflag:$0x2] =	stream.indirect_vreg.gather [hbm4b:s7+s3], $0x80, v2, vm0, $0xb8;
	[tilespmem:$0x18400] =	vst v63  }
0x4f: {  	s20 =	simm.s32 $0xA400  }
0x50: {  	[tilespmem:s20], [sflag:$0x2] =	stream.indirect_vreg.gather [hbm4b:s8+s3], $0x80, v2, vm0, $0xb8;
	[tilespmem:$0x18400] =	vst v63  }
0x51: {  	s21 =	simm.s32 $0xAC00  }
0x52: {  	[tilespmem:s21], [sflag:$0x2] =	stream.indirect_vreg.gather [hbm4b:s9+s3], $0x80, v2, vm0, $0xb8;
	[tilespmem:$0x18400] =	vst v63  }
0x53: {  	s25 =	simm.s32 $0xB400  }
0x54: {  	[tilespmem:s25], [sflag:$0x2] =	stream.indirect_vreg.gather [hbm4b:s10+s3], $0x80, v2, vm0, $0xb8;
	[tilespmem:$0x18400] =	vst v63  }
0x55: {  	s1 =	simm.s32 $0xBC00  }
0x56: {  	[tilespmem:s1], [sflag:$0x2] =	stream.indirect_vreg.gather [hbm4b:s11+s3], $0x80, v2, vm0, $0xb8;
	[tilespmem:$0x18400] =	vst v63  }
0x57: {  	s4 =	simm.s32 $0xC400  }
0x58: {  	[tilespmem:s4], [sflag:$0x2] =	stream.indirect_vreg.gather [hbm4b:s12+s3], $0x80, v2, vm0, $0xb8;
	[tilespmem:$0x18400] =	vst v63  }
0x59: {  	s20 =	simm.s32 $0xCC00  }
0x5a: {  	[tilespmem:s20], [sflag:$0x2] =	stream.indirect_vreg.gather [hbm4b:s13+s3], $0x80, v2, vm0, $0xb8;
	[tilespmem:$0x18400] =	vst v63  }
0x5b: {  	s21 =	simm.s32 $0xD400  }
0x5c: {  	[tilespmem:s21], [sflag:$0x2] =	stream.indirect_vreg.gather [hbm4b:s14+s3], $0x80, v2, vm0, $0xb8;
	[tilespmem:$0x18400] =	vst v63  }
0x5d: {  	s25 =	simm.s32 $0xDC00  }
0x5e: {  	[tilespmem:s25], [sflag:$0x2] =	stream.indirect_vreg.gather [hbm4b:s15+s3], $0x80, v2, vm0, $0xb8;
	[tilespmem:$0x18400] =	vst v63  }
0x5f: {  	s1 =	simm.s32 $0xE400  }
0x60: {  	[tilespmem:s1], [sflag:$0x2] =	stream.indirect_vreg.gather [hbm4b:s16+s3], $0x80, v2, vm0, $0xb8;
	[tilespmem:$0x18400] =	vst v63  }
0x61: {  	s4 =	simm.s32 $0xEC00  }
0x62: {  	[tilespmem:s4], [sflag:$0x2] =	stream.indirect_vreg.gather [hbm4b:s17+s3], $0x80, v2, vm0, $0xb8;
	[tilespmem:$0x18400] =	vst v63  }
0x63: {  	s20 =	simm.s32 $0xF400  }
0x64: {  	[tilespmem:s20], [sflag:$0x2] =	stream.indirect_vreg.gather [hbm4b:s18+s3], $0x80, v2, vm0, $0xb8;
	[tilespmem:$0x18400] =	vst v63  }
0x65: {  	s21 =	simm.s32 $0xFC00  }
0x66: {  	[tilespmem:s21], [sflag:$0x2] =	stream.indirect_vreg.gather [hbm4b:s19+s3], $0x80, v2, vm0, $0xb8;
	[tilespmem:$0x18400] =	vst v63  }
0x67: {  	v2 =	vld.msk [tilespmem:$0x10], $0xff;
	_ =	sdelay $0x4  }
0x68: {  	v3 =	vshll.u32 v2, $0x5  }
0x69: {  	v2 =	vand.u32 $0x7, v2;
	v3 =	vand.u32 $0xFFFFFF00, v3  }
0x6a: {  	v2 =	vor.u32 v2, v3  }
0x6b: {  	v2 =	vperm.xlane v2, v0;
	_ =	sdelay $0x1  }
0x6c: {  	v2 =	vadd.s32 v1, v2;
	_ =	sdelay $0x3  }
0x6d: {  	s25 =	simm.s32 $0x10400  }
0x6e: {  	[tilespmem:s25], [sflag:$0x3] =	stream.indirect_vreg.gather [hbm4b:s2+s3], $0x80, v2, vm0, $0xb8;
	[tilespmem:$0x18400] =	vst v63  }
0x6f: {  	s1 =	simm.s32 $0x10C00  }
0x70: {  	[tilespmem:s1], [sflag:$0x3] =	stream.indirect_vreg.gather [hbm4b:s5+s3], $0x80, v2, vm0, $0xb8;
	[tilespmem:$0x18400] =	vst v63  }
0x71: {  	s4 =	simm.s32 $0x11400  }
0x72: {  	[tilespmem:s4], [sflag:$0x3] =	stream.indirect_vreg.gather [hbm4b:s6+s3], $0x80, v2, vm0, $0xb8;
	[tilespmem:$0x18400] =	vst v63  }
0x73: {  	s20 =	simm.s32 $0x11C00  }
0x74: {  	[tilespmem:s20], [sflag:$0x3] =	stream.indirect_vreg.gather [hbm4b:s7+s3], $0x80, v2, vm0, $0xb8;
	[tilespmem:$0x18400] =	vst v63  }
0x75: {  	s21 =	simm.s32 $0x12400  }
0x76: {  	[tilespmem:s21], [sflag:$0x3] =	stream.indirect_vreg.gather [hbm4b:s8+s3], $0x80, v2, vm0, $0xb8;
	[tilespmem:$0x18400] =	vst v63  }
0x77: {  	s25 =	simm.s32 $0x12C00  }
0x78: {  	[tilespmem:s25], [sflag:$0x3] =	stream.indirect_vreg.gather [hbm4b:s9+s3], $0x80, v2, vm0, $0xb8;
	[tilespmem:$0x18400] =	vst v63  }
0x79: {  	s1 =	simm.s32 $0x13400  }
0x7a: {  	[tilespmem:s1], [sflag:$0x3] =	stream.indirect_vreg.gather [hbm4b:s10+s3], $0x80, v2, vm0, $0xb8;
	[tilespmem:$0x18400] =	vst v63  }
0x7b: {  	s4 =	simm.s32 $0x13C00  }
0x7c: {  	[tilespmem:s4], [sflag:$0x3] =	stream.indirect_vreg.gather [hbm4b:s11+s3], $0x80, v2, vm0, $0xb8;
	[tilespmem:$0x18400] =	vst v63  }
0x7d: {  	s20 =	simm.s32 $0x14400  }
0x7e: {  	[tilespmem:s20], [sflag:$0x3] =	stream.indirect_vreg.gather [hbm4b:s12+s3], $0x80, v2, vm0, $0xb8;
	[tilespmem:$0x18400] =	vst v63  }
0x7f: {  	s21 =	simm.s32 $0x14C00  }
0x80: {  	[tilespmem:s21], [sflag:$0x3] =	stream.indirect_vreg.gather [hbm4b:s13+s3], $0x80, v2, vm0, $0xb8;
	[tilespmem:$0x18400] =	vst v63  }
0x81: {  	s25 =	simm.s32 $0x15400  }
0x82: {  	[tilespmem:s25], [sflag:$0x3] =	stream.indirect_vreg.gather [hbm4b:s14+s3], $0x80, v2, vm0, $0xb8;
	[tilespmem:$0x18400] =	vst v63  }
0x83: {  	s1 =	simm.s32 $0x15C00  }
0x84: {  	[tilespmem:s1], [sflag:$0x3] =	stream.indirect_vreg.gather [hbm4b:s15+s3], $0x80, v2, vm0, $0xb8;
	[tilespmem:$0x18400] =	vst v63  }
0x85: {  	s4 =	simm.s32 $0x16400  }
0x86: {  	[tilespmem:s4], [sflag:$0x3] =	stream.indirect_vreg.gather [hbm4b:s16+s3], $0x80, v2, vm0, $0xb8;
	[tilespmem:$0x18400] =	vst v63  }
0x87: {  	s20 =	simm.s32 $0x16C00  }
0x88: {  	[tilespmem:s20], [sflag:$0x3] =	stream.indirect_vreg.gather [hbm4b:s17+s3], $0x80, v2, vm0, $0xb8;
	[tilespmem:$0x18400] =	vst v63  }
0x89: {  	s21 =	simm.s32 $0x17400  }
0x8a: {  	[tilespmem:s21], [sflag:$0x3] =	stream.indirect_vreg.gather [hbm4b:s18+s3], $0x80, v2, vm0, $0xb8;
	[tilespmem:$0x18400] =	vst v63  }
0x8b: {  	s29 =	simm.s32 $0x20;
	s25 =	simm.s32 $0x17C00  }
0x8c: {  	[tilespmem:s25], [sflag:$0x3] =	stream.indirect_vreg.gather [hbm4b:s19+s3], $0x80, v2, vm0, $0xb8;
	[tilespmem:$0x18400] =	vst v63  }
0x8d: {  	s31 =	simm.s32 $0x0;
	s20 =	simm.s32 $0x3400;
	s25 =	rddreg [dreg:$0x9]  }
.LBB2_2:
0x8e: {  	_ =	swait.ge [sflag:s22], $0x8000  }
0x8f: {  	s21 =	simm.s32 $0x400;
	s1 =	rddreg [dreg:$0x4];
	[sflag:s22] =	ssyncset.done $0x0  }
0x90: {  	p0 =	seq.s32 s31, $0x0;
	[sflag:s22] =	ssyncadd.s32 $0xFFFF8000;
	s1 =	sadd.s32 s31, s1  }
0x91: {  	[hbm4b:s1+s3] =	stream.linear.scatter [tilespmem:s21], [sflag:$0x4], $0x8000, $0x38;
	[tilespmem:$0x18400] =	vst v63  }
0x92: {  	s1 =	simm.s32 @!p0 $0x6  }
0x93: {  	_ =	swait.ge @!p0 [sflag:s1], $0x8000  }
0x94: {  	[sflag:s1] =	ssyncset.done @!p0 $0x0  }
0x95: {  	[sflag:s1] =	ssyncadd.s32 @!p0 $0xFFFF8000  }
0x96: {  	v2 =	vld.msk @!p0 [tilespmem:s29+$0xFFFFFFF0], $0xff;
	_ =	sdelay $0x4  }
0x97: {  	v3 =	vshll.u32 @!p0 v2, $0x5  }
0x98: {  	v4 =	vlaneseq.u32 @!p0;
	v2 =	vand.u32 @!p0 $0x7, v2;
	v3 =	vand.u32 @!p0 $0xFFFFFF00, v3  }
0x99: {  	v2 =	vor.u32 @!p0 v2, v3;
	v3 =	vand.u32 @!p0 $0x7, v4;
	v4 =	vshrl.u32 @!p0 v4, $0x3  }
0x9a: {  	v2 =	vperm.xlane @!p0 v2, v3;
	v3 =	vmul.u32 @!p0 $0x8, v4;
	_ =	sdelay $0x1  }
0x9b: {  	v2 =	vadd.s32 @!p0 v3, v2;
	_ =	sdelay $0x3  }
0x9c: {  	vm1 =	vmmov @!p0 $0xffff;
	s0 =	simm.s32 @!p0 $0x10400;
	s1 =	simm.s32 @!p0 $0x0  }
0x9d: {  	[tilespmem:s0], [sflag:$0x3] =	stream.indirect_vreg.gather @!p0 [hbm4b:s2+s1], $0x80, v2, vm1, $0xb8;
	[tilespmem:$0x18400] =	vst v63  }
0x9e: {  	s0 =	simm.s32 @!p0 $0x10C00  }
0x9f: {  	[tilespmem:s0], [sflag:$0x3] =	stream.indirect_vreg.gather @!p0 [hbm4b:s5+s1], $0x80, v2, vm1, $0xb8;
	[tilespmem:$0x18400] =	vst v63  }
0xa0: {  	s0 =	simm.s32 @!p0 $0x11400  }
0xa1: {  	[tilespmem:s0], [sflag:$0x3] =	stream.indirect_vreg.gather @!p0 [hbm4b:s6+s1], $0x80, v2, vm1, $0xb8;
	[tilespmem:$0x18400] =	vst v63  }
0xa2: {  	s0 =	simm.s32 @!p0 $0x11C00  }
0xa3: {  	[tilespmem:s0], [sflag:$0x3] =	stream.indirect_vreg.gather @!p0 [hbm4b:s7+s1], $0x80, v2, vm1, $0xb8;
	[tilespmem:$0x18400] =	vst v63  }
0xa4: {  	s0 =	simm.s32 @!p0 $0x12400  }
0xa5: {  	[tilespmem:s0], [sflag:$0x3] =	stream.indirect_vreg.gather @!p0 [hbm4b:s8+s1], $0x80, v2, vm1, $0xb8;
	[tilespmem:$0x18400] =	vst v63  }
0xa6: {  	s0 =	simm.s32 @!p0 $0x12C00  }
0xa7: {  	[tilespmem:s0], [sflag:$0x3] =	stream.indirect_vreg.gather @!p0 [hbm4b:s9+s1], $0x80, v2, vm1, $0xb8;
	[tilespmem:$0x18400] =	vst v63  }
0xa8: {  	s0 =	simm.s32 @!p0 $0x13400  }
0xa9: {  	[tilespmem:s0], [sflag:$0x3] =	stream.indirect_vreg.gather @!p0 [hbm4b:s10+s1], $0x80, v2, vm1, $0xb8;
	[tilespmem:$0x18400] =	vst v63  }
0xaa: {  	s0 =	simm.s32 @!p0 $0x13C00  }
0xab: {  	[tilespmem:s0], [sflag:$0x3] =	stream.indirect_vreg.gather @!p0 [hbm4b:s11+s1], $0x80, v2, vm1, $0xb8;
	[tilespmem:$0x18400] =	vst v63  }
0xac: {  	s0 =	simm.s32 @!p0 $0x14400  }
0xad: {  	[tilespmem:s0], [sflag:$0x3] =	stream.indirect_vreg.gather @!p0 [hbm4b:s12+s1], $0x80, v2, vm1, $0xb8;
	[tilespmem:$0x18400] =	vst v63  }
0xae: {  	s0 =	simm.s32 @!p0 $0x14C00  }
0xaf: {  	[tilespmem:s0], [sflag:$0x3] =	stream.indirect_vreg.gather @!p0 [hbm4b:s13+s1], $0x80, v2, vm1, $0xb8;
	[tilespmem:$0x18400] =	vst v63  }
0xb0: {  	s0 =	simm.s32 @!p0 $0x15400  }
0xb1: {  	[tilespmem:s0], [sflag:$0x3] =	stream.indirect_vreg.gather @!p0 [hbm4b:s14+s1], $0x80, v2, vm1, $0xb8;
	[tilespmem:$0x18400] =	vst v63  }
0xb2: {  	s0 =	simm.s32 @!p0 $0x15C00  }
0xb3: {  	[tilespmem:s0], [sflag:$0x3] =	stream.indirect_vreg.gather @!p0 [hbm4b:s15+s1], $0x80, v2, vm1, $0xb8;
	[tilespmem:$0x18400] =	vst v63  }
0xb4: {  	s0 =	simm.s32 @!p0 $0x16400  }
0xb5: {  	[tilespmem:s0], [sflag:$0x3] =	stream.indirect_vreg.gather @!p0 [hbm4b:s16+s1], $0x80, v2, vm1, $0xb8;
	[tilespmem:$0x18400] =	vst v63  }
0xb6: {  	s0 =	simm.s32 @!p0 $0x16C00  }
0xb7: {  	[tilespmem:s0], [sflag:$0x3] =	stream.indirect_vreg.gather @!p0 [hbm4b:s17+s1], $0x80, v2, vm1, $0xb8;
	[tilespmem:$0x18400] =	vst v63  }
0xb8: {  	s0 =	simm.s32 @!p0 $0x17400  }
0xb9: {  	[tilespmem:s0], [sflag:$0x3] =	stream.indirect_vreg.gather @!p0 [hbm4b:s18+s1], $0x80, v2, vm1, $0xb8;
	[tilespmem:$0x18400] =	vst v63  }
0xba: {  	s0 =	simm.s32 @!p0 $0x17C00  }
0xbb: {  	[tilespmem:s0], [sflag:$0x3] =	stream.indirect_vreg.gather @!p0 [hbm4b:s19+s1], $0x80, v2, vm1, $0xb8;
	[tilespmem:$0x18400] =	vst v63  }
0xbc: {  	_ =	swait.ge [sflag:s23], $0x8000  }
0xbd: {  	s0 =	sadd.s32 s31, s25;
	[sflag:s23] =	ssyncset.done $0x0  }
0xbe: {  	s4 =	sadd.s32 $0x1000, s0;
	[sflag:s23] =	ssyncadd.s32 $0xFFFF8000  }
0xbf: {  	[hbm4b:s4+s3] =	stream.linear.scatter [tilespmem:s30], [sflag:$0x5], $0x8000, $0x38;
	[tilespmem:$0x18400] =	vst v63  }
0xc0: {  	_ =	swait.ge [sflag:s24], $0x8000  }
0xc1: {  	[sflag:s24] =	ssyncset.done $0x0  }
0xc2: {  	[sflag:s24] =	ssyncadd.s32 $0xFFFF8000  }
0xc3: {  	v2 =	vld.msk [tilespmem:s29+$0xFFFFFFF8], $0xff;
	_ =	sdelay $0x4  }
0xc4: {  	v3 =	vshll.u32 v2, $0x5  }
0xc5: {  	v2 =	vand.u32 $0x7, v2;
	v3 =	vand.u32 $0xFFFFFF00, v3  }
0xc6: {  	v2 =	vor.u32 v2, v3  }
0xc7: {  	v2 =	vperm.xlane v2, v0;
	_ =	sdelay $0x1  }
0xc8: {  	v2 =	vadd.s32 v1, v2;
	_ =	sdelay $0x4  }
0xc9: {  	[tilespmem:s21], [sflag:$0x1] =	stream.indirect_vreg.gather [hbm4b:s2+s3], $0x80, v2, vm0, $0xb8;
	[tilespmem:$0x18400] =	vst v63  }
0xca: {  	s1 =	simm.s32 $0xC00  }
0xcb: {  	[tilespmem:s1], [sflag:$0x1] =	stream.indirect_vreg.gather [hbm4b:s5+s3], $0x80, v2, vm0, $0xb8;
	[tilespmem:$0x18400] =	vst v63  }
0xcc: {  	s21 =	simm.s32 $0x1400  }
0xcd: {  	[tilespmem:s21], [sflag:$0x1] =	stream.indirect_vreg.gather [hbm4b:s6+s3], $0x80, v2, vm0, $0xb8;
	[tilespmem:$0x18400] =	vst v63  }
0xce: {  	s21 =	simm.s32 $0x1C00  }
0xcf: {  	[tilespmem:s21], [sflag:$0x1] =	stream.indirect_vreg.gather [hbm4b:s7+s3], $0x80, v2, vm0, $0xb8;
	[tilespmem:$0x18400] =	vst v63  }
0xd0: {  	s21 =	simm.s32 $0x2400  }
0xd1: {  	[tilespmem:s21], [sflag:$0x1] =	stream.indirect_vreg.gather [hbm4b:s8+s3], $0x80, v2, vm0, $0xb8;
	[tilespmem:$0x18400] =	vst v63  }
0xd2: {  	s21 =	simm.s32 $0x2C00  }
0xd3: {  	[tilespmem:s21], [sflag:$0x1] =	stream.indirect_vreg.gather [hbm4b:s9+s3], $0x80, v2, vm0, $0xb8;
	[tilespmem:$0x18400] =	vst v63  }
0xd4: {  	_ = 	snop  }
0xd5: {  	[tilespmem:s20], [sflag:$0x1] =	stream.indirect_vreg.gather [hbm4b:s10+s3], $0x80, v2, vm0, $0xb8;
	[tilespmem:$0x18400] =	vst v63  }
0xd6: {  	s21 =	simm.s32 $0x3C00  }
0xd7: {  	[tilespmem:s21], [sflag:$0x1] =	stream.indirect_vreg.gather [hbm4b:s11+s3], $0x80, v2, vm0, $0xb8;
	[tilespmem:$0x18400] =	vst v63  }
0xd8: {  	s21 =	simm.s32 $0x4400  }
0xd9: {  	[tilespmem:s21], [sflag:$0x1] =	stream.indirect_vreg.gather [hbm4b:s12+s3], $0x80, v2, vm0, $0xb8;
	[tilespmem:$0x18400] =	vst v63  }
0xda: {  	s21 =	simm.s32 $0x4C00  }
0xdb: {  	[tilespmem:s21], [sflag:$0x1] =	stream.indirect_vreg.gather [hbm4b:s13+s3], $0x80, v2, vm0, $0xb8;
	[tilespmem:$0x18400] =	vst v63  }
0xdc: {  	s21 =	simm.s32 $0x5400  }
0xdd: {  	[tilespmem:s21], [sflag:$0x1] =	stream.indirect_vreg.gather [hbm4b:s14+s3], $0x80, v2, vm0, $0xb8;
	[tilespmem:$0x18400] =	vst v63  }
0xde: {  	s21 =	simm.s32 $0x5C00  }
0xdf: {  	[tilespmem:s21], [sflag:$0x1] =	stream.indirect_vreg.gather [hbm4b:s15+s3], $0x80, v2, vm0, $0xb8;
	[tilespmem:$0x18400] =	vst v63  }
0xe0: {  	s21 =	simm.s32 $0x6400  }
0xe1: {  	[tilespmem:s21], [sflag:$0x1] =	stream.indirect_vreg.gather [hbm4b:s16+s3], $0x80, v2, vm0, $0xb8;
	[tilespmem:$0x18400] =	vst v63  }
0xe2: {  	s21 =	simm.s32 $0x6C00  }
0xe3: {  	[tilespmem:s21], [sflag:$0x1] =	stream.indirect_vreg.gather [hbm4b:s17+s3], $0x80, v2, vm0, $0xb8;
	[tilespmem:$0x18400] =	vst v63  }
0xe4: {  	s21 =	simm.s32 $0x7400  }
0xe5: {  	[tilespmem:s21], [sflag:$0x1] =	stream.indirect_vreg.gather [hbm4b:s18+s3], $0x80, v2, vm0, $0xb8;
	[tilespmem:$0x18400] =	vst v63  }
0xe6: {  	s21 =	simm.s32 $0x7C00  }
0xe7: {  	[tilespmem:s21], [sflag:$0x1] =	stream.indirect_vreg.gather [hbm4b:s19+s3], $0x80, v2, vm0, $0xb8;
	[tilespmem:$0x18400] =	vst v63  }
0xe8: {  	_ =	swait.ge [sflag:s26], $0x8000  }
0xe9: {  	[sflag:s26] =	ssyncset.done $0x0  }
0xea: {  	s0 =	sadd.s32 $0x2000, s0;
	s21 =	simm.s32 $0x10400;
	[sflag:s26] =	ssyncadd.s32 $0xFFFF8000  }
0xeb: {  	[hbm4b:s0+s3] =	stream.linear.scatter [tilespmem:s21], [sflag:$0x6], $0x8000, $0x38;
	[tilespmem:$0x18400] =	vst v63  }
0xec: {  	_ =	swait.ge [sflag:s28], $0x8000  }
0xed: {  	[sflag:s28] =	ssyncset.done $0x0  }
0xee: {  	[sflag:s28] =	ssyncadd.s32 $0xFFFF8000  }
0xef: {  	v2 =	vld.msk [tilespmem:s29+$0x0], $0xff;
	_ =	sdelay $0x4  }
0xf0: {  	v3 =	vshll.u32 v2, $0x5  }
0xf1: {  	v2 =	vand.u32 $0x7, v2;
	v3 =	vand.u32 $0xFFFFFF00, v3  }
0xf2: {  	v2 =	vor.u32 v2, v3  }
0xf3: {  	v2 =	vperm.xlane v2, v0;
	_ =	sdelay $0x1  }
0xf4: {  	v2 =	vadd.s32 v1, v2;
	_ =	sdelay $0x4  }
0xf5: {  	[tilespmem:s30], [sflag:$0x2] =	stream.indirect_vreg.gather [hbm4b:s2+s3], $0x80, v2, vm0, $0xb8;
	[tilespmem:$0x18400] =	vst v63  }
0xf6: {  	s21 =	simm.s32 $0x8C00  }
0xf7: {  	[tilespmem:s21], [sflag:$0x2] =	stream.indirect_vreg.gather [hbm4b:s5+s3], $0x80, v2, vm0, $0xb8;
	[tilespmem:$0x18400] =	vst v63  }
0xf8: {  	s21 =	simm.s32 $0x9400  }
0xf9: {  	[tilespmem:s21], [sflag:$0x2] =	stream.indirect_vreg.gather [hbm4b:s6+s3], $0x80, v2, vm0, $0xb8;
	[tilespmem:$0x18400] =	vst v63  }
0xfa: {  	s21 =	simm.s32 $0x9C00  }
0xfb: {  	[tilespmem:s21], [sflag:$0x2] =	stream.indirect_vreg.gather [hbm4b:s7+s3], $0x80, v2, vm0, $0xb8;
	[tilespmem:$0x18400] =	vst v63  }
0xfc: {  	s21 =	simm.s32 $0xA400  }
0xfd: {  	[tilespmem:s21], [sflag:$0x2] =	stream.indirect_vreg.gather [hbm4b:s8+s3], $0x80, v2, vm0, $0xb8;
	[tilespmem:$0x18400] =	vst v63  }
0xfe: {  	s21 =	simm.s32 $0xAC00  }
0xff: {  	[tilespmem:s21], [sflag:$0x2] =	stream.indirect_vreg.gather [hbm4b:s9+s3], $0x80, v2, vm0, $0xb8;
	[tilespmem:$0x18400] =	vst v63  }
0x100: {  	s21 =	simm.s32 $0xB400  }
0x101: {  	[tilespmem:s21], [sflag:$0x2] =	stream.indirect_vreg.gather [hbm4b:s10+s3], $0x80, v2, vm0, $0xb8;
	[tilespmem:$0x18400] =	vst v63  }
0x102: {  	s21 =	simm.s32 $0xBC00  }
0x103: {  	[tilespmem:s21], [sflag:$0x2] =	stream.indirect_vreg.gather [hbm4b:s11+s3], $0x80, v2, vm0, $0xb8;
	[tilespmem:$0x18400] =	vst v63  }
0x104: {  	s21 =	simm.s32 $0xC400  }
0x105: {  	[tilespmem:s21], [sflag:$0x2] =	stream.indirect_vreg.gather [hbm4b:s12+s3], $0x80, v2, vm0, $0xb8;
	[tilespmem:$0x18400] =	vst v63  }
0x106: {  	s21 =	simm.s32 $0xCC00  }
0x107: {  	[tilespmem:s21], [sflag:$0x2] =	stream.indirect_vreg.gather [hbm4b:s13+s3], $0x80, v2, vm0, $0xb8;
	[tilespmem:$0x18400] =	vst v63  }
0x108: {  	s21 =	simm.s32 $0xD400  }
0x109: {  	[tilespmem:s21], [sflag:$0x2] =	stream.indirect_vreg.gather [hbm4b:s14+s3], $0x80, v2, vm0, $0xb8;
	[tilespmem:$0x18400] =	vst v63  }
0x10a: {  	s21 =	simm.s32 $0xDC00  }
0x10b: {  	[tilespmem:s21], [sflag:$0x2] =	stream.indirect_vreg.gather [hbm4b:s15+s3], $0x80, v2, vm0, $0xb8;
	[tilespmem:$0x18400] =	vst v63  }
0x10c: {  	s31 =	sadd.s32 $0x3000, s31;
	s21 =	simm.s32 $0xE400  }
0x10d: {  	[tilespmem:s21], [sflag:$0x2] =	stream.indirect_vreg.gather [hbm4b:s16+s3], $0x80, v2, vm0, $0xb8;
	[tilespmem:$0x18400] =	vst v63  }
0x10e: {  	p0 =	sne.s32 s31, $0x7E000;
	s21 =	simm.s32 $0xEC00  }
0x10f: {  	[tilespmem:s21], [sflag:$0x2] =	stream.indirect_vreg.gather [hbm4b:s17+s3], $0x80, v2, vm0, $0xb8;
	[tilespmem:$0x18400] =	vst v63  }
.Ltmp0:
0x110: {  	_ = 	snop;
	(pc) =	sbr.rel @p0 .LBB2_2-.Ltmp0, $4  }
0x111: {  	s21 =	simm.s32 $0xF400  }
0x112: {  	[tilespmem:s21], [sflag:$0x2] =	stream.indirect_vreg.gather [hbm4b:s18+s3], $0x80, v2, vm0, $0xb8;
	[tilespmem:$0x18400] =	vst v63  }
0x113: {  	s4 =	simm.s32 $0x400;
	s29 =	sadd.s32 $0x18, s29;
	s21 =	simm.s32 $0xFC00  }
0x114: {  	[tilespmem:s21], [sflag:$0x2] =	stream.indirect_vreg.gather [hbm4b:s19+s3], $0x80, v2, vm0, $0xb8;
	[tilespmem:$0x18400] =	vst v63  }
0x115: {  	_ =	swait.ge [sflag:s22], $0x8000  }
0x116: {  	[sflag:s22] =	ssyncset.done $0x0  }
0x117: {  	s0 =	rddreg [dreg:$0x6];
	[sflag:s22] =	ssyncadd.s32 $0xFFFF8000  }
0x118: {  	[hbm4b:s0+s3] =	stream.linear.scatter [tilespmem:s4], [sflag:$0x4], $0x8000, $0x38;
	[tilespmem:$0x18400] =	vst v63  }
0x119: {  	_ =	swait.ge [sflag:s23], $0x8000  }
0x11a: {  	[sflag:s23] =	ssyncset.done $0x0  }
0x11b: {  	s21 =	simm.s32 $0x6;
	s20 =	rddreg [dreg:$0x7];
	[sflag:s23] =	ssyncadd.s32 $0xFFFF8000  }
0x11c: {  	[hbm4b:s20+s3] =	stream.linear.scatter [tilespmem:s30], [sflag:$0x5], $0x8000, $0x38;
	[tilespmem:$0x18400] =	vst v63  }
0x11d: {  	_ =	swait.ge [sflag:s21], $0x8000  }
0x11e: {  	[sflag:s21] =	ssyncset.done $0x0  }
0x11f: {  	[sflag:s21] =	ssyncadd.s32 $0xFFFF8000  }
0x120: {  	_ =	swait.ge [sflag:s24], $0x8000  }
0x121: {  	[sflag:s24] =	ssyncset.done $0x0  }
0x122: {  	[sflag:s24] =	ssyncadd.s32 $0xFFFF8000  }
0x123: {  	_ =	swait.ge [sflag:s28], $0x8000  }
0x124: {  	s20 =	rddreg [dreg:$0xa]  }
0x125: {  	s25 =	rddreg [dreg:$0x8];
	s20 =	sadd.s32 $0x1, s20  }
0x126: {  	p0 =	sne.s32 s20, s25  }
.Ltmp1:
0x127: {  	_ = 	snop;
	(pc) =	sbr.rel @p0 .LBB2_1-.Ltmp1, $4  }
0x128: {  	_ = 	snop  }
0x129: {  	s29 =	simm.s32 $0x2C00;
	[sflag:s28] =	ssyncset.done $0x0  }
0x12a: {  	s31 =	simm.s32 $0x3400;
	s21 =	simm.s32 $0x1C00;
	[sflag:s28] =	ssyncadd.s32 $0xFFFF8000  }
0x12b: {  	[dreg:$0xa] =	wrdreg s20;
	s25 =	simm.s32 $0x1400;
	s20 =	simm.s32 $0x2400  }
0x12c: {  	_ =	sfence.sel $0x180000  }
0x12d: {  	[bflag:$0x0] =	sbarrier.arrive $0xFFFF  }
0x12e: {  	_ =	strace $0x90000047  }
0x12f: {  	s0 =	stileid.u32;
	[bflag:$0x2] =	sbarrier.arrive $0xFFFF  }
0x130: {  	p0 =	sne.s32 s0, $0x0;
	s0 =	rddreg [dreg:$0x3]  }
0x131: {  	s0 =	sadd.s32 @!p0 $0x100000, s0  }
0x132: {  	[sflag:s0] =	ssyncadd.tile.s32 @!p0 $0x1;
	_ =	shalt  }
.Lfunc_end2:
_tile_overlayer_lowered:
.L_overlay_start_2:
0x133: {  	(tag) =	ssettag $0x2  }
0x134: {  	s0 =	rddreg [dreg:$0x0];
	s2 =	stileid.u32  }
0x135: {  	s1 =	rddreg [dreg:$0x1];
	p0 =	sne.s32 s2, $0x0  }
0x136: {  	s3 =	rddreg [dreg:$0x2];
	[bflag:$0x3] =	sbarrier.arrive $0xFFFF;
	s2 =	simm.s32 @!p0 $0x1C07  }
0x137: {  	[timem:s3], [sflag:s2] =	dma.local @!p0 [hbm:s0], s1  }
0x138: {  	s0 =	simm.s32 @!p0 $0x7  }
0x139: {  	_ =	swait.ge @!p0 [sflag:s0], s1  }
0x13a: {  	s1 =	ssub.s32 @!p0 $0x0, s1;
	[sflag:s0] =	ssyncset.done @!p0 $0x0  }
0x13b: {  	[sflag:s0] =	ssyncadd.s32 @!p0 s1  }
0x13c: {  	[bflag:$0x3] =	sbarrier.arrive $0xFFFF  }
0x13d: {  	_ =	shalt  }

</sc_bundles>
